<compile_context>
chip_gen: v7x
topology: tpu7x:2x2x1
jax: 0.10.2.dev20260603
libtpu: 0.0.44.dev20260713+nightly
codegen_flags: <defaults>
</compile_context>

<pallas_src>
import jax
import jax.numpy as jnp
from jax.experimental import pallas as pl
from jax.experimental.pallas import tpu as pltpu

B, N, F_NODE, HG, OBS_DIM, HID, ACT = 4096, 100, 16, 16, 32, 64, 5
NPAD = 104
PK = 8
RPB = NPAD // PK
BB = 256
R = BB * RPB

_F32 = jnp.float32
_BF16 = jnp.bfloat16


def _body(x2_ref, wl_ref, aid_ref, obs_ref,
          w8in_ref, b8_ref, w8msg_ref, wupd_ref,
          w1a_ref, w1b_ref, b1_ref, w2_ref, b2_ref, wq_ref, bq_ref,
          q_ref, sb_ref, st_ref, nid_ref):

    @pl.when(pl.program_id(0) == 0)
    def _init():
        rows_i = jax.lax.broadcasted_iota(jnp.int32, (BB, R), 1)
        b_i = jax.lax.broadcasted_iota(jnp.int32, (BB, R), 0)
        band = (rows_i >= b_i * RPB) & (rows_i < (b_i + 1) * RPB)
        sb_ref[...] = jnp.where(band, 1.0, 0.0).astype(_BF16)
        rows_t = jax.lax.broadcasted_iota(jnp.int32, (R, BB), 0)
        b_t = jax.lax.broadcasted_iota(jnp.int32, (R, BB), 1)
        st_ref[...] = jnp.where(
            (rows_t >= b_t * RPB) & (rows_t < (b_t + 1) * RPB),
            1.0, 0.0).astype(_BF16)
        rows = jax.lax.broadcasted_iota(jnp.int32, (R, 128), 0)
        lane = jax.lax.broadcasted_iota(jnp.int32, (R, 128), 1)
        div13 = (rows * 5042) >> 16
        nid_ref[...] = PK * (rows - RPB * div13) + (lane >> 4)

    x = x2_ref[...]
    h = jnp.maximum(
        jnp.dot(x, w8in_ref[...], preferred_element_type=_F32)
        + b8_ref[...], 0.0)
    msg = jnp.maximum(
        jnp.dot(h.astype(_BF16), w8msg_ref[...], preferred_element_type=_F32),
        0.0)
    prod = msg.astype(_BF16) * wl_ref[...]

    agg128 = jnp.dot(sb_ref[...], prod, preferred_element_type=_F32)

    idxrow = jnp.dot(st_ref[...], aid_ref[...],
                     preferred_element_type=_F32).astype(jnp.int32)
    ohl = jnp.where(nid_ref[...] == idxrow, 1.0, 0.0)
    m = (h * ohl).astype(_BF16)
    hsel128 = jnp.dot(sb_ref[...], m, preferred_element_type=_F32)

    lane_j = jax.lax.broadcasted_iota(jnp.int32, (128, HG), 0)
    lane_f = jax.lax.broadcasted_iota(jnp.int32, (128, HG), 1)
    fold = jnp.where((lane_j & 15) == lane_f, 1.0, 0.0).astype(_BF16)
    agg = jnp.dot(agg128.astype(_BF16), fold, preferred_element_type=_F32)
    hsel = jnp.dot(hsel128.astype(_BF16), fold, preferred_element_type=_F32)

    gnn = jnp.maximum(
        hsel + jnp.dot(agg.astype(_BF16), wupd_ref[...],
                       preferred_element_type=_F32), 0.0)
    x1 = jnp.maximum(
        jnp.dot(obs_ref[...].astype(_BF16), w1a_ref[...],
                preferred_element_type=_F32)
        + jnp.dot(gnn.astype(_BF16), w1b_ref[...],
                  preferred_element_type=_F32)
        + b1_ref[...], 0.0)
    x2m = jnp.maximum(
        jnp.dot(x1.astype(_BF16), w2_ref[...], preferred_element_type=_F32)
        + b2_ref[...], 0.0)
    q_ref[...] = (jnp.dot(x2m.astype(_BF16), wq_ref[...],
                          preferred_element_type=_F32) + bq_ref[...])


def kernel(obs, rnn_states, node_obs, adj, agent_id, W_in, b_in, W_msg,
           W_upd, W1, b1, W2, b2, Wq, bq):
    idx = agent_id[:, 0].astype(jnp.int32)
    adj_row = jnp.take_along_axis(adj, idx[:, None, None], axis=1)[:, 0, :]
    w = adj_row * (adj_row > 0).astype(adj_row.dtype)
    wp = jnp.pad(w, ((0, 0), (0, NPAD - N)))
    wl = jnp.repeat(wp.reshape(B * RPB, PK), HG, axis=1).astype(_BF16)

    x2 = jnp.pad(node_obs.reshape(B, N * F_NODE).astype(_BF16),
                 ((0, 0), (0, (NPAD - N) * F_NODE))
                 ).reshape(B * RPB, PK * F_NODE)

    eye8 = jnp.eye(PK, dtype=_F32)
    w8in = jnp.kron(eye8, W_in).astype(_BF16)
    w8msg = jnp.kron(eye8, W_msg).astype(_BF16)
    b8 = jnp.tile(b_in, PK)[None, :]
    aidb = idx.astype(_BF16)[:, None]

    full = lambda shape: pl.BlockSpec(shape, lambda i: (0,) * len(shape))
    q = pl.pallas_call(
        _body,
        grid=(B // BB,),
        in_specs=[
            pl.BlockSpec((R, 128), lambda i: (i, 0)),
            pl.BlockSpec((R, 128), lambda i: (i, 0)),
            pl.BlockSpec((BB, 1), lambda i: (i, 0)),
            pl.BlockSpec((BB, OBS_DIM), lambda i: (i, 0)),
            full((128, 128)),
            full((1, 128)),
            full((128, 128)),
            full((HG, HG)),
            full((OBS_DIM, HID)),
            full((HG, HID)),
            full((1, HID)),
            full((HID, HID)),
            full((1, HID)),
            full((HID, ACT)),
            full((1, ACT)),
        ],
        out_specs=pl.BlockSpec((BB, ACT), lambda i: (i, 0)),
        out_shape=jax.ShapeDtypeStruct((B, ACT), _F32),
        scratch_shapes=[
            pltpu.VMEM((BB, R), _BF16),
            pltpu.VMEM((R, BB), _BF16),
            pltpu.VMEM((R, 128), jnp.int32),
        ],
    )(x2, wl, aidb, obs,
      w8in, b8, w8msg, W_upd.astype(_BF16),
      W1[:OBS_DIM].astype(_BF16), W1[OBS_DIM:].astype(_BF16), b1[None, :],
      W2.astype(_BF16), b2[None, :], Wq.astype(_BF16), bq[None, :])
    return (q, rnn_states)

# --- scband reference (transcript-rebuilt; emitter-appended) ---
"""Pipeline reference for scband-gcmagent-q-16930761080875 (READ-ONLY COPY).

The authoritative reference and input builder live on the scoring server;
editing this copy changes nothing except your own understanding.
"""

import jax, jax.numpy as jnp
import numpy as np

B, N, F_NODE, HG, OBS_DIM, HID, ACT = 4096, 100, 16, 16, 32, 64, 5


def setup_inputs(seed: int = 0) -> dict:
    key = jax.random.key(seed)
    ks = jax.random.split(key, 16)
    inp = {
        "obs": jax.random.normal(ks[0], (B, OBS_DIM), jnp.float32),
        "rnn_states": jnp.zeros((B, HID), jnp.float32),
        "node_obs": jax.random.normal(ks[1], (B, N, F_NODE), jnp.float32),
        "adj": jax.random.uniform(ks[2], (B, N, N), jnp.float32),
        "agent_id": jax.random.randint(ks[3], (B, 1), 0, N),
        "W_in": jax.random.normal(ks[4], (F_NODE, HG), jnp.float32) * 0.1,
        "b_in": jnp.zeros((HG,), jnp.float32),
        "W_msg": jax.random.normal(ks[5], (HG, HG), jnp.float32) * 0.1,
        "W_upd": jax.random.normal(ks[6], (HG, HG), jnp.float32) * 0.1,
        "W1": jax.random.normal(ks[7], (OBS_DIM + HG, HID), jnp.float32) * 0.1,
        "b1": jnp.zeros((HID,), jnp.float32),
        "W2": jax.random.normal(ks[8], (HID, HID), jnp.float32) * 0.1,
        "b2": jnp.zeros((HID,), jnp.float32),
        "Wq": jax.random.normal(ks[9], (HID, ACT), jnp.float32) * 0.01,
        "bq": jnp.zeros((ACT,), jnp.float32),
    }
    return inp


def reference(obs, rnn_states, node_obs, adj, agent_id, W_in, b_in, W_msg, W_upd, W1, b1, W2, b2, Wq, bq):
    # GCMGNN: one round of dense message passing over adjacency-weighted edges
    h = jax.nn.relu(node_obs @ W_in + b_in)            # [B, N, HG]
    msg = jax.nn.relu(h @ W_msg)                       # [B, N, HG]
    mask = (adj > 0).astype(adj.dtype)
    w = adj * mask                                     # edge weights
    agg = jnp.einsum('bij,bjh->bih', w, msg)           # neighbor aggregation
    h2 = jax.nn.relu(h + agg @ W_upd)                  # [B, N, HG]
    # actor_graph_aggr == 'node': gather the ego-agent node embedding
    idx = agent_id[:, 0].astype(jnp.int32)
    gnn_out = h2[jnp.arange(h2.shape[0]), idx]         # [B, HG]
    # concat with flat obs, MLP base (use_rnn_layer=False)
    inp = jnp.concatenate([obs, gnn_out], axis=-1)
    x = jax.nn.relu(inp @ W1 + b1)
    x = jax.nn.relu(x @ W2 + b2)
    # ACTLayer Q head
    q_outs = x @ Wq + bq                               # [B, ACT]
    h_final = rnn_states                               # rnn_states[0] after [None] expansion
    return (q_outs, h_final)

if __name__ == "__main__":
    import jax
    _d = setup_inputs()
    print(jax.jit(kernel)(*tuple(_d.values())))

</pallas_src>

<mosaic_0001>
module attributes {stable_mosaic.version = 14 : i64} {
  func.func @_body(%arg0: i32, %arg1: memref<3328x128xbf16, #tpu.memory_space<vmem>>, %arg2: memref<3328x128xbf16, #tpu.memory_space<vmem>>, %arg3: memref<256x1xbf16, #tpu.memory_space<vmem>>, %arg4: memref<256x32xf32, #tpu.memory_space<vmem>>, %arg5: memref<128x128xbf16, #tpu.memory_space<vmem>>, %arg6: memref<1x128xf32, #tpu.memory_space<vmem>>, %arg7: memref<128x128xbf16, #tpu.memory_space<vmem>>, %arg8: memref<16x16xbf16, #tpu.memory_space<vmem>>, %arg9: memref<32x64xbf16, #tpu.memory_space<vmem>>, %arg10: memref<16x64xbf16, #tpu.memory_space<vmem>>, %arg11: memref<1x64xf32, #tpu.memory_space<vmem>>, %arg12: memref<64x64xbf16, #tpu.memory_space<vmem>>, %arg13: memref<1x64xf32, #tpu.memory_space<vmem>>, %arg14: memref<64x5xbf16, #tpu.memory_space<vmem>>, %arg15: memref<1x5xf32, #tpu.memory_space<vmem>>, %arg16: memref<256x5xf32, #tpu.memory_space<vmem>>, %arg17: memref<256x3328xbf16, #tpu.memory_space<vmem>>, %arg18: memref<3328x256xbf16, #tpu.memory_space<vmem>>, %arg19: memref<3328x128xi32, #tpu.memory_space<vmem>>) attributes {dimension_semantics = [#tpu.dimension_semantics<arbitrary>], iteration_bounds = array<i64: 16>, scalar_prefetch = 0 : i64, scratch_operands = 3 : i64, tpu.core_type = #tpu.core_type<tc>, window_params = [{transform_indices = @transform_0, window_bounds = array<i64: 3328, 128>}, {transform_indices = @transform_1, window_bounds = array<i64: 3328, 128>}, {transform_indices = @transform_2, window_bounds = array<i64: 256, 1>}, {transform_indices = @transform_3, window_bounds = array<i64: 256, 32>}, {pipeline_mode = #tpu.pipeline_mode<synchronous>, transform_indices = @transform_4, window_bounds = array<i64: 128, 128>}, {pipeline_mode = #tpu.pipeline_mode<synchronous>, transform_indices = @transform_5, window_bounds = array<i64: 1, 128>}, {pipeline_mode = #tpu.pipeline_mode<synchronous>, transform_indices = @transform_6, window_bounds = array<i64: 128, 128>}, {pipeline_mode = #tpu.pipeline_mode<synchronous>, transform_indices = @transform_7, window_bounds = array<i64: 16, 16>}, {pipeline_mode = #tpu.pipeline_mode<synchronous>, transform_indices = @transform_8, window_bounds = array<i64: 32, 64>}, {pipeline_mode = #tpu.pipeline_mode<synchronous>, transform_indices = @transform_9, window_bounds = array<i64: 16, 64>}, {pipeline_mode = #tpu.pipeline_mode<synchronous>, transform_indices = @transform_10, window_bounds = array<i64: 1, 64>}, {pipeline_mode = #tpu.pipeline_mode<synchronous>, transform_indices = @transform_11, window_bounds = array<i64: 64, 64>}, {pipeline_mode = #tpu.pipeline_mode<synchronous>, transform_indices = @transform_12, window_bounds = array<i64: 1, 64>}, {pipeline_mode = #tpu.pipeline_mode<synchronous>, transform_indices = @transform_13, window_bounds = array<i64: 64, 5>}, {pipeline_mode = #tpu.pipeline_mode<synchronous>, transform_indices = @transform_14, window_bounds = array<i64: 1, 5>}, {transform_indices = @transform_15, window_bounds = array<i64: 256, 5>}]} {
    %eq3A = arith.constant 0 : i32
    %eq3A_0 = arith.cmpi eq, %arg0, %eq3A : i32
    %convert_element_type3A = arith.extui %eq3A_0 : i1 to i32
    %cond3A = arith.constant 0 : i32
    %cond3A_1 = arith.cmpi ne, %convert_element_type3A, %cond3A : i32
    scf.if %cond3A_1 {
      %iota3A_132 = tpu.iota {dimensions = array<i32: 1>} : vector<256x3328xi32>
      %iota3A_133 = tpu.iota {dimensions = array<i32: 0>} : vector<256x3328xi32>
      %mul3A_134 = arith.constant 13 : i32
      %mul3A_135 = vector.broadcast %mul3A_134 : i32 to vector<256x3328xi32>
      %mul3A_136 = arith.muli %iota3A_133, %mul3A_135 : vector<256x3328xi32>
      %ge3A = arith.cmpi sge, %iota3A_132, %mul3A_136 : vector<256x3328xi32>
      %add3A_137 = arith.constant 1 : i32
      %add3A_138 = vector.broadcast %add3A_137 : i32 to vector<256x3328xi32>
      %add3A_139 = arith.addi %iota3A_133, %add3A_138 : vector<256x3328xi32>
      %mul3A_140 = arith.constant 13 : i32
      %mul3A_141 = vector.broadcast %mul3A_140 : i32 to vector<256x3328xi32>
      %mul3A_142 = arith.muli %add3A_139, %mul3A_141 : vector<256x3328xi32>
      %lt3A = arith.cmpi slt, %iota3A_132, %mul3A_142 : vector<256x3328xi32>
      %and3A_143 = arith.andi %ge3A, %lt3A : vector<256x3328xi1>
      %jit3A_144 = arith.constant 1.000000e+00 : f32
      %jit3A_145 = arith.constant 0.000000e+00 : f32
      %broadcast_in_dim3A_146 = vector.broadcast %jit3A_144 : f32 to vector<256x3328xf32>
      %broadcast_in_dim3A_147 = vector.broadcast %jit3A_145 : f32 to vector<256x3328xf32>
      %select_n3A_148 = arith.select %and3A_143, %broadcast_in_dim3A_146, %broadcast_in_dim3A_147 : vector<256x3328xi1>, vector<256x3328xf32>
      %convert_element_type3A_149 = arith.truncf %select_n3A_148 : vector<256x3328xf32> to vector<256x3328xbf16>
      %swap3A_150 = arith.constant 0 : index
      %swap3A_151 = arith.constant 0 : index
      %swap3A_152 = vector.load %arg17[%swap3A_150, %swap3A_151] : memref<256x3328xbf16, #tpu.memory_space<vmem>>, vector<256x3328xbf16>
      tpu.vector_store %arg17[%swap3A_150, %swap3A_151], %convert_element_type3A_149 {strides = array<i32>} : memref<256x3328xbf16, #tpu.memory_space<vmem>>, vector<256x3328xbf16>,
      %iota3A_153 = tpu.iota {dimensions = array<i32: 0>} : vector<3328x256xi32>
      %iota3A_154 = tpu.iota {dimensions = array<i32: 1>} : vector<3328x256xi32>
      %mul3A_155 = arith.constant 13 : i32
      %mul3A_156 = vector.broadcast %mul3A_155 : i32 to vector<3328x256xi32>
      %mul3A_157 = arith.muli %iota3A_154, %mul3A_156 : vector<3328x256xi32>
      %ge3A_158 = arith.cmpi sge, %iota3A_153, %mul3A_157 : vector<3328x256xi32>
      %add3A_159 = arith.constant 1 : i32
      %add3A_160 = vector.broadcast %add3A_159 : i32 to vector<3328x256xi32>
      %add3A_161 = arith.addi %iota3A_154, %add3A_160 : vector<3328x256xi32>
      %mul3A_162 = arith.constant 13 : i32
      %mul3A_163 = vector.broadcast %mul3A_162 : i32 to vector<3328x256xi32>
      %mul3A_164 = arith.muli %add3A_161, %mul3A_163 : vector<3328x256xi32>
      %lt3A_165 = arith.cmpi slt, %iota3A_153, %mul3A_164 : vector<3328x256xi32>
      %and3A_166 = arith.andi %ge3A_158, %lt3A_165 : vector<3328x256xi1>
      %jit3A_167 = arith.constant 1.000000e+00 : f32
      %jit3A_168 = arith.constant 0.000000e+00 : f32
      %broadcast_in_dim3A_169 = vector.broadcast %jit3A_167 : f32 to vector<3328x256xf32>
      %broadcast_in_dim3A_170 = vector.broadcast %jit3A_168 : f32 to vector<3328x256xf32>
      %select_n3A_171 = arith.select %and3A_166, %broadcast_in_dim3A_169, %broadcast_in_dim3A_170 : vector<3328x256xi1>, vector<3328x256xf32>
      %convert_element_type3A_172 = arith.truncf %select_n3A_171 : vector<3328x256xf32> to vector<3328x256xbf16>
      %swap3A_173 = arith.constant 0 : index
      %swap3A_174 = arith.constant 0 : index
      %swap3A_175 = vector.load %arg18[%swap3A_173, %swap3A_174] : memref<3328x256xbf16, #tpu.memory_space<vmem>>, vector<3328x256xbf16>
      tpu.vector_store %arg18[%swap3A_173, %swap3A_174], %convert_element_type3A_172 {strides = array<i32>} : memref<3328x256xbf16, #tpu.memory_space<vmem>>, vector<3328x256xbf16>,
      %iota3A_176 = tpu.iota {dimensions = array<i32: 0>} : vector<3328x128xi32>
      %iota3A_177 = tpu.iota {dimensions = array<i32: 1>} : vector<3328x128xi32>
      %mul3A_178 = arith.constant 5042 : i32
      %mul3A_179 = vector.broadcast %mul3A_178 : i32 to vector<3328x128xi32>
      %mul3A_180 = arith.muli %iota3A_176, %mul3A_179 : vector<3328x128xi32>
      %shift_right_arithmetic3A = arith.constant 16 : i32
      %shift_right_arithmetic3A_181 = vector.broadcast %shift_right_arithmetic3A : i32 to vector<3328x128xi32>
      %shift_right_arithmetic3A_182 = arith.shrsi %mul3A_180, %shift_right_arithmetic3A_181 : vector<3328x128xi32>
      %mul3A_183 = arith.constant 13 : i32
      %mul3A_184 = vector.broadcast %mul3A_183 : i32 to vector<3328x128xi32>
      %mul3A_185 = arith.muli %mul3A_184, %shift_right_arithmetic3A_182 : vector<3328x128xi32>
      %sub3A = arith.subi %iota3A_176, %mul3A_185 : vector<3328x128xi32>
      %mul3A_186 = arith.constant 8 : i32
      %mul3A_187 = vector.broadcast %mul3A_186 : i32 to vector<3328x128xi32>
      %mul3A_188 = arith.muli %mul3A_187, %sub3A : vector<3328x128xi32>
      %shift_right_arithmetic3A_189 = arith.constant 4 : i32
      %shift_right_arithmetic3A_190 = vector.broadcast %shift_right_arithmetic3A_189 : i32 to vector<3328x128xi32>
      %shift_right_arithmetic3A_191 = arith.shrsi %iota3A_177, %shift_right_arithmetic3A_190 : vector<3328x128xi32>
      %add3A_192 = arith.addi %mul3A_188, %shift_right_arithmetic3A_191 : vector<3328x128xi32>
      %swap3A_193 = arith.constant 0 : index
      %swap3A_194 = arith.constant 0 : index
      %swap3A_195 = vector.load %arg19[%swap3A_193, %swap3A_194] : memref<3328x128xi32, #tpu.memory_space<vmem>>, vector<3328x128xi32>
      tpu.vector_store %arg19[%swap3A_193, %swap3A_194], %add3A_192 {strides = array<i32>} : memref<3328x128xi32, #tpu.memory_space<vmem>>, vector<3328x128xi32>,
    } else {
    }
    %get3A = arith.constant 0 : index
    %get3A_2 = arith.constant 0 : index
    %get3A_3 = vector.load %arg1[%get3A, %get3A_2] : memref<3328x128xbf16, #tpu.memory_space<vmem>>, vector<3328x128xbf16>
    %get3A_4 = arith.constant 0 : index
    %get3A_5 = arith.constant 0 : index
    %get3A_6 = vector.load %arg5[%get3A_4, %get3A_5] : memref<128x128xbf16, #tpu.memory_space<vmem>>, vector<128x128xbf16>
    %dot_general3A = arith.constant dense<0.000000e+00> : vector<3328x128xf32>
    %dot_general3A_7 = tpu.matmul %get3A_3, %get3A_6, %dot_general3A {dimension_numbers = #tpu.dot_dimension_numbers<[1], [0], [0], [1], [0, 0, 1, 1], [], []>, transpose_lhs_hint = false} : vector<3328x128xbf16>, vector<128x128xbf16>, vector<3328x128xf32> -> vector<3328x128xf32>
    %get3A_8 = arith.constant 0 : index
    %get3A_9 = arith.constant 0 : index
    %get3A_10 = vector.load %arg6[%get3A_8, %get3A_9] : memref<1x128xf32, #tpu.memory_space<vmem>>, vector<1x128xf32>
    %add3A = vector.broadcast %get3A_10 : vector<1x128xf32> to vector<3328x128xf32>
    %add3A_11 = arith.addf %dot_general3A_7, %add3A : vector<3328x128xf32>
    %max3A = arith.constant 0.000000e+00 : f32
    %max3A_12 = vector.broadcast %max3A : f32 to vector<3328x128xf32>
    %max3A_13 = arith.maximumf %add3A_11, %max3A_12 : vector<3328x128xf32>
    %convert_element_type3A_14 = arith.truncf %max3A_13 : vector<3328x128xf32> to vector<3328x128xbf16>
    %get3A_15 = arith.constant 0 : index
    %get3A_16 = arith.constant 0 : index
    %get3A_17 = vector.load %arg7[%get3A_15, %get3A_16] : memref<128x128xbf16, #tpu.memory_space<vmem>>, vector<128x128xbf16>
    %dot_general3A_18 = arith.constant dense<0.000000e+00> : vector<3328x128xf32>
    %dot_general3A_19 = tpu.matmul %convert_element_type3A_14, %get3A_17, %dot_general3A_18 {dimension_numbers = #tpu.dot_dimension_numbers<[1], [0], [0], [1], [0, 0, 1, 1], [], []>, transpose_lhs_hint = false} : vector<3328x128xbf16>, vector<128x128xbf16>, vector<3328x128xf32> -> vector<3328x128xf32>
    %max3A_20 = arith.constant 0.000000e+00 : f32
    %max3A_21 = vector.broadcast %max3A_20 : f32 to vector<3328x128xf32>
    %max3A_22 = arith.maximumf %dot_general3A_19, %max3A_21 : vector<3328x128xf32>
    %convert_element_type3A_23 = arith.truncf %max3A_22 : vector<3328x128xf32> to vector<3328x128xbf16>
    %get3A_24 = arith.constant 0 : index
    %get3A_25 = arith.constant 0 : index
    %get3A_26 = vector.load %arg2[%get3A_24, %get3A_25] : memref<3328x128xbf16, #tpu.memory_space<vmem>>, vector<3328x128xbf16>
    %mul3A = arith.mulf %convert_element_type3A_23, %get3A_26 : vector<3328x128xbf16>
    %get3A_27 = arith.constant 0 : index
    %get3A_28 = arith.constant 0 : index
    %get3A_29 = vector.load %arg17[%get3A_27, %get3A_28] : memref<256x3328xbf16, #tpu.memory_space<vmem>>, vector<256x3328xbf16>
    %dot_general3A_30 = arith.constant dense<0.000000e+00> : vector<256x128xf32>
    %dot_general3A_31 = tpu.matmul %get3A_29, %mul3A, %dot_general3A_30 {dimension_numbers = #tpu.dot_dimension_numbers<[1], [0], [0], [1], [0, 0, 1, 1], [], []>, transpose_lhs_hint = false} : vector<256x3328xbf16>, vector<3328x128xbf16>, vector<256x128xf32> -> vector<256x128xf32>
    %get3A_32 = arith.constant 0 : index
    %get3A_33 = arith.constant 0 : index
    %get3A_34 = vector.load %arg18[%get3A_32, %get3A_33] : memref<3328x256xbf16, #tpu.memory_space<vmem>>, vector<3328x256xbf16>
    %get3A_35 = arith.constant 0 : index
    %get3A_36 = arith.constant 0 : index
    %get3A_37 = vector.load %arg3[%get3A_35, %get3A_36] : memref<256x1xbf16, #tpu.memory_space<vmem>>, vector<256x1xbf16>
    %dot_general3A_38 = arith.constant dense<0.000000e+00> : vector<3328x1xf32>
    %dot_general3A_39 = tpu.matmul %get3A_34, %get3A_37, %dot_general3A_38 {dimension_numbers = #tpu.dot_dimension_numbers<[1], [0], [0], [1], [0, 0, 1, 1], [], []>, transpose_lhs_hint = false} : vector<3328x256xbf16>, vector<256x1xbf16>, vector<3328x1xf32> -> vector<3328x1xf32>
    %convert_element_type3A_40 = arith.fptosi %dot_general3A_39 : vector<3328x1xf32> to vector<3328x1xi32>
    %get3A_41 = arith.constant 0 : index
    %get3A_42 = arith.constant 0 : index
    %get3A_43 = vector.load %arg19[%get3A_41, %get3A_42] : memref<3328x128xi32, #tpu.memory_space<vmem>>, vector<3328x128xi32>
    %eq3A_44 = vector.broadcast %convert_element_type3A_40 : vector<3328x1xi32> to vector<3328x128xi32>
    %eq3A_45 = arith.cmpi eq, %get3A_43, %eq3A_44 : vector<3328x128xi32>
    %jit3A = arith.constant 1.000000e+00 : f32
    %jit3A_46 = arith.constant 0.000000e+00 : f32
    %broadcast_in_dim3A = vector.broadcast %jit3A : f32 to vector<3328x128xf32>
    %broadcast_in_dim3A_47 = vector.broadcast %jit3A_46 : f32 to vector<3328x128xf32>
    %select_n3A = arith.select %eq3A_45, %broadcast_in_dim3A, %broadcast_in_dim3A_47 : vector<3328x128xi1>, vector<3328x128xf32>
    %mul3A_48 = arith.mulf %max3A_13, %select_n3A : vector<3328x128xf32>
    %convert_element_type3A_49 = arith.truncf %mul3A_48 : vector<3328x128xf32> to vector<3328x128xbf16>
    %get3A_50 = arith.constant 0 : index
    %get3A_51 = arith.constant 0 : index
    %get3A_52 = vector.load %arg17[%get3A_50, %get3A_51] : memref<256x3328xbf16, #tpu.memory_space<vmem>>, vector<256x3328xbf16>
    %dot_general3A_53 = arith.constant dense<0.000000e+00> : vector<256x128xf32>
    %dot_general3A_54 = tpu.matmul %get3A_52, %convert_element_type3A_49, %dot_general3A_53 {dimension_numbers = #tpu.dot_dimension_numbers<[1], [0], [0], [1], [0, 0, 1, 1], [], []>, transpose_lhs_hint = false} : vector<256x3328xbf16>, vector<3328x128xbf16>, vector<256x128xf32> -> vector<256x128xf32>
    %iota3A = tpu.iota {dimensions = array<i32: 0>} : vector<128x16xi32>
    %iota3A_55 = tpu.iota {dimensions = array<i32: 1>} : vector<128x16xi32>
    %and3A = arith.constant 15 : i32
    %and3A_56 = vector.broadcast %and3A : i32 to vector<128x16xi32>
    %and3A_57 = arith.andi %iota3A, %and3A_56 : vector<128x16xi32>
    %eq3A_58 = arith.cmpi eq, %and3A_57, %iota3A_55 : vector<128x16xi32>
    %jit3A_59 = arith.constant 1.000000e+00 : f32
    %jit3A_60 = arith.constant 0.000000e+00 : f32
    %broadcast_in_dim3A_61 = vector.broadcast %jit3A_59 : f32 to vector<128x16xf32>
    %broadcast_in_dim3A_62 = vector.broadcast %jit3A_60 : f32 to vector<128x16xf32>
    %select_n3A_63 = arith.select %eq3A_58, %broadcast_in_dim3A_61, %broadcast_in_dim3A_62 : vector<128x16xi1>, vector<128x16xf32>
    %convert_element_type3A_64 = arith.truncf %select_n3A_63 : vector<128x16xf32> to vector<128x16xbf16>
    %convert_element_type3A_65 = arith.truncf %dot_general3A_31 : vector<256x128xf32> to vector<256x128xbf16>
    %dot_general3A_66 = arith.constant dense<0.000000e+00> : vector<256x16xf32>
    %dot_general3A_67 = tpu.matmul %convert_element_type3A_65, %convert_element_type3A_64, %dot_general3A_66 {dimension_numbers = #tpu.dot_dimension_numbers<[1], [0], [0], [1], [0, 0, 1, 1], [], []>, transpose_lhs_hint = false} : vector<256x128xbf16>, vector<128x16xbf16>, vector<256x16xf32> -> vector<256x16xf32>
    %convert_element_type3A_68 = arith.truncf %dot_general3A_54 : vector<256x128xf32> to vector<256x128xbf16>
    %dot_general3A_69 = arith.constant dense<0.000000e+00> : vector<256x16xf32>
    %dot_general3A_70 = tpu.matmul %convert_element_type3A_68, %convert_element_type3A_64, %dot_general3A_69 {dimension_numbers = #tpu.dot_dimension_numbers<[1], [0], [0], [1], [0, 0, 1, 1], [], []>, transpose_lhs_hint = false} : vector<256x128xbf16>, vector<128x16xbf16>, vector<256x16xf32> -> vector<256x16xf32>
    %convert_element_type3A_71 = arith.truncf %dot_general3A_67 : vector<256x16xf32> to vector<256x16xbf16>
    %get3A_72 = arith.constant 0 : index
    %get3A_73 = arith.constant 0 : index
    %get3A_74 = vector.load %arg8[%get3A_72, %get3A_73] : memref<16x16xbf16, #tpu.memory_space<vmem>>, vector<16x16xbf16>
    %dot_general3A_75 = arith.constant dense<0.000000e+00> : vector<256x16xf32>
    %dot_general3A_76 = tpu.matmul %convert_element_type3A_71, %get3A_74, %dot_general3A_75 {dimension_numbers = #tpu.dot_dimension_numbers<[1], [0], [0], [1], [0, 0, 1, 1], [], []>, transpose_lhs_hint = false} : vector<256x16xbf16>, vector<16x16xbf16>, vector<256x16xf32> -> vector<256x16xf32>
    %add3A_77 = arith.addf %dot_general3A_70, %dot_general3A_76 : vector<256x16xf32>
    %max3A_78 = arith.constant 0.000000e+00 : f32
    %max3A_79 = vector.broadcast %max3A_78 : f32 to vector<256x16xf32>
    %max3A_80 = arith.maximumf %add3A_77, %max3A_79 : vector<256x16xf32>
    %get3A_81 = arith.constant 0 : index
    %get3A_82 = arith.constant 0 : index
    %get3A_83 = vector.load %arg4[%get3A_81, %get3A_82] : memref<256x32xf32, #tpu.memory_space<vmem>>, vector<256x32xf32>
    %convert_element_type3A_84 = arith.truncf %get3A_83 : vector<256x32xf32> to vector<256x32xbf16>
    %get3A_85 = arith.constant 0 : index
    %get3A_86 = arith.constant 0 : index
    %get3A_87 = vector.load %arg9[%get3A_85, %get3A_86] : memref<32x64xbf16, #tpu.memory_space<vmem>>, vector<32x64xbf16>
    %dot_general3A_88 = arith.constant dense<0.000000e+00> : vector<256x64xf32>
    %dot_general3A_89 = tpu.matmul %convert_element_type3A_84, %get3A_87, %dot_general3A_88 {dimension_numbers = #tpu.dot_dimension_numbers<[1], [0], [0], [1], [0, 0, 1, 1], [], []>, transpose_lhs_hint = false} : vector<256x32xbf16>, vector<32x64xbf16>, vector<256x64xf32> -> vector<256x64xf32>
    %convert_element_type3A_90 = arith.truncf %max3A_80 : vector<256x16xf32> to vector<256x16xbf16>
    %get3A_91 = arith.constant 0 : index
    %get3A_92 = arith.constant 0 : index
    %get3A_93 = vector.load %arg10[%get3A_91, %get3A_92] : memref<16x64xbf16, #tpu.memory_space<vmem>>, vector<16x64xbf16>
    %dot_general3A_94 = arith.constant dense<0.000000e+00> : vector<256x64xf32>
    %dot_general3A_95 = tpu.matmul %convert_element_type3A_90, %get3A_93, %dot_general3A_94 {dimension_numbers = #tpu.dot_dimension_numbers<[1], [0], [0], [1], [0, 0, 1, 1], [], []>, transpose_lhs_hint = false} : vector<256x16xbf16>, vector<16x64xbf16>, vector<256x64xf32> -> vector<256x64xf32>
    %add3A_96 = arith.addf %dot_general3A_89, %dot_general3A_95 : vector<256x64xf32>
    %get3A_97 = arith.constant 0 : index
    %get3A_98 = arith.constant 0 : index
    %get3A_99 = vector.load %arg11[%get3A_97, %get3A_98] : memref<1x64xf32, #tpu.memory_space<vmem>>, vector<1x64xf32>
    %add3A_100 = vector.broadcast %get3A_99 : vector<1x64xf32> to vector<256x64xf32>
    %add3A_101 = arith.addf %add3A_96, %add3A_100 : vector<256x64xf32>
    %max3A_102 = arith.constant 0.000000e+00 : f32
    %max3A_103 = vector.broadcast %max3A_102 : f32 to vector<256x64xf32>
    %max3A_104 = arith.maximumf %add3A_101, %max3A_103 : vector<256x64xf32>
    %convert_element_type3A_105 = arith.truncf %max3A_104 : vector<256x64xf32> to vector<256x64xbf16>
    %get3A_106 = arith.constant 0 : index
    %get3A_107 = arith.constant 0 : index
    %get3A_108 = vector.load %arg12[%get3A_106, %get3A_107] : memref<64x64xbf16, #tpu.memory_space<vmem>>, vector<64x64xbf16>
    %dot_general3A_109 = arith.constant dense<0.000000e+00> : vector<256x64xf32>
    %dot_general3A_110 = tpu.matmul %convert_element_type3A_105, %get3A_108, %dot_general3A_109 {dimension_numbers = #tpu.dot_dimension_numbers<[1], [0], [0], [1], [0, 0, 1, 1], [], []>, transpose_lhs_hint = false} : vector<256x64xbf16>, vector<64x64xbf16>, vector<256x64xf32> -> vector<256x64xf32>
    %get3A_111 = arith.constant 0 : index
    %get3A_112 = arith.constant 0 : index
    %get3A_113 = vector.load %arg13[%get3A_111, %get3A_112] : memref<1x64xf32, #tpu.memory_space<vmem>>, vector<1x64xf32>
    %add3A_114 = vector.broadcast %get3A_113 : vector<1x64xf32> to vector<256x64xf32>
    %add3A_115 = arith.addf %dot_general3A_110, %add3A_114 : vector<256x64xf32>
    %max3A_116 = arith.constant 0.000000e+00 : f32
    %max3A_117 = vector.broadcast %max3A_116 : f32 to vector<256x64xf32>
    %max3A_118 = arith.maximumf %add3A_115, %max3A_117 : vector<256x64xf32>
    %convert_element_type3A_119 = arith.truncf %max3A_118 : vector<256x64xf32> to vector<256x64xbf16>
    %get3A_120 = arith.constant 0 : index
    %get3A_121 = arith.constant 0 : index
    %get3A_122 = vector.load %arg14[%get3A_120, %get3A_121] : memref<64x5xbf16, #tpu.memory_space<vmem>>, vector<64x5xbf16>
    %dot_general3A_123 = arith.constant dense<0.000000e+00> : vector<256x5xf32>
    %dot_general3A_124 = tpu.matmul %convert_element_type3A_119, %get3A_122, %dot_general3A_123 {dimension_numbers = #tpu.dot_dimension_numbers<[1], [0], [0], [1], [0, 0, 1, 1], [], []>, transpose_lhs_hint = false} : vector<256x64xbf16>, vector<64x5xbf16>, vector<256x5xf32> -> vector<256x5xf32>
    %get3A_125 = arith.constant 0 : index
    %get3A_126 = arith.constant 0 : index
    %get3A_127 = vector.load %arg15[%get3A_125, %get3A_126] : memref<1x5xf32, #tpu.memory_space<vmem>>, vector<1x5xf32>
    %add3A_128 = vector.broadcast %get3A_127 : vector<1x5xf32> to vector<256x5xf32>
    %add3A_129 = arith.addf %dot_general3A_124, %add3A_128 : vector<256x5xf32>
    %swap3A = arith.constant 0 : index
    %swap3A_130 = arith.constant 0 : index
    %swap3A_131 = vector.load %arg16[%swap3A, %swap3A_130] : memref<256x5xf32, #tpu.memory_space<vmem>>, vector<256x5xf32>
    tpu.vector_store %arg16[%swap3A, %swap3A_130], %add3A_129 {strides = array<i32>} : memref<256x5xf32, #tpu.memory_space<vmem>>, vector<256x5xf32>,
    return
  }
  func.func @transform_0(%arg0: i32) -> (i32, i32) {
    %c0_i32 = arith.constant 0 : i32
    %c0_i32_0 = arith.constant 0 : i32
    return %arg0, %c0_i32 : i32, i32
  }
  func.func @transform_1(%arg0: i32) -> (i32, i32) {
    %c0_i32 = arith.constant 0 : i32
    %c0_i32_0 = arith.constant 0 : i32
    return %arg0, %c0_i32 : i32, i32
  }
  func.func @transform_2(%arg0: i32) -> (i32, i32) {
    %c0_i32 = arith.constant 0 : i32
    %c0_i32_0 = arith.constant 0 : i32
    return %arg0, %c0_i32 : i32, i32
  }
  func.func @transform_3(%arg0: i32) -> (i32, i32) {
    %c0_i32 = arith.constant 0 : i32
    %c0_i32_0 = arith.constant 0 : i32
    return %arg0, %c0_i32 : i32, i32
  }
  func.func @transform_4(%arg0: i32) -> (i32, i32) {
    %c0_i32 = arith.constant 0 : i32
    %c0_i32_0 = arith.constant 0 : i32
    %c0_i32_1 = arith.constant 0 : i32
    return %c0_i32, %c0_i32_0 : i32, i32
  }
  func.func @transform_5(%arg0: i32) -> (i32, i32) {
    %c0_i32 = arith.constant 0 : i32
    %c0_i32_0 = arith.constant 0 : i32
    %c0_i32_1 = arith.constant 0 : i32
    return %c0_i32, %c0_i32_0 : i32, i32
  }
  func.func @transform_6(%arg0: i32) -> (i32, i32) {
    %c0_i32 = arith.constant 0 : i32
    %c0_i32_0 = arith.constant 0 : i32
    %c0_i32_1 = arith.constant 0 : i32
    return %c0_i32, %c0_i32_0 : i32, i32
  }
  func.func @transform_7(%arg0: i32) -> (i32, i32) {
    %c0_i32 = arith.constant 0 : i32
    %c0_i32_0 = arith.constant 0 : i32
    %c0_i32_1 = arith.constant 0 : i32
    return %c0_i32, %c0_i32_0 : i32, i32
  }
  func.func @transform_8(%arg0: i32) -> (i32, i32) {
    %c0_i32 = arith.constant 0 : i32
    %c0_i32_0 = arith.constant 0 : i32
    %c0_i32_1 = arith.constant 0 : i32
    return %c0_i32, %c0_i32_0 : i32, i32
  }
  func.func @transform_9(%arg0: i32) -> (i32, i32) {
    %c0_i32 = arith.constant 0 : i32
    %c0_i32_0 = arith.constant 0 : i32
    %c0_i32_1 = arith.constant 0 : i32
    return %c0_i32, %c0_i32_0 : i32, i32
  }
  func.func @transform_10(%arg0: i32) -> (i32, i32) {
    %c0_i32 = arith.constant 0 : i32
    %c0_i32_0 = arith.constant 0 : i32
    %c0_i32_1 = arith.constant 0 : i32
    return %c0_i32, %c0_i32_0 : i32, i32
  }
  func.func @transform_11(%arg0: i32) -> (i32, i32) {
    %c0_i32 = arith.constant 0 : i32
    %c0_i32_0 = arith.constant 0 : i32
    %c0_i32_1 = arith.constant 0 : i32
    return %c0_i32, %c0_i32_0 : i32, i32
  }
  func.func @transform_12(%arg0: i32) -> (i32, i32) {
    %c0_i32 = arith.constant 0 : i32
    %c0_i32_0 = arith.constant 0 : i32
    %c0_i32_1 = arith.constant 0 : i32
    return %c0_i32, %c0_i32_0 : i32, i32
  }
  func.func @transform_13(%arg0: i32) -> (i32, i32) {
    %c0_i32 = arith.constant 0 : i32
    %c0_i32_0 = arith.constant 0 : i32
    %c0_i32_1 = arith.constant 0 : i32
    return %c0_i32, %c0_i32_0 : i32, i32
  }
  func.func @transform_14(%arg0: i32) -> (i32, i32) {
    %c0_i32 = arith.constant 0 : i32
    %c0_i32_0 = arith.constant 0 : i32
    %c0_i32_1 = arith.constant 0 : i32
    return %c0_i32, %c0_i32_0 : i32, i32
  }
  func.func @transform_15(%arg0: i32) -> (i32, i32) {
    %c0_i32 = arith.constant 0 : i32
    %c0_i32_0 = arith.constant 0 : i32
    return %arg0, %c0_i32 : i32, i32
  }
}

</mosaic_0001>

<sc_bundles>
// kernel: gather_offload_async_start
scs
__scs_entry_jumppad:
0x0: {  	(pc) =	sbr.rel $0x88, $3  }
0x1: {  	(tag) =	ssettag $0x0;
	lr =	simm.s32 $0x1  }
0x2: {  	[smem:$0x3F92] =	sst lr;
	_ =	strace $0xD0000000  }
0x3: {  	_ = 	snop  }
0x4: {  	_ = 	snop  }
0x5: {  	_ = 	snop  }
0x6: {  	_ = 	snop  }
0x7: {  	_ = 	snop  }
__scs_overlays_trampoline_lowered:
0x8: {  	[smem:$0x3FA1] =	sst s0  }
0x9: {  	[smem:$0x3FA2] =	sst s1  }
0xa: {  	[smem:$0x3FA3] =	sst s2  }
0xb: {  	[smem:$0x3FA4] =	sst s3  }
0xc: {  	[smem:$0x3FA5] =	sst s4  }
0xd: {  	[smem:$0x3FA6] =	sst s5  }
0xe: {  	[smem:$0x3FA7] =	sst s6  }
0xf: {  	[smem:$0x3FA8] =	sst s7  }
0x10: {  	[smem:$0x3FA9] =	sst s8  }
0x11: {  	[smem:$0x3FAA] =	sst s9;
	s0 =	simm.s32 @!p0 $0x0  }
0x12: {  	s1 =	sld [smem:$0x3F90];
	s0 =	simm.s32 @p0 $0x1  }
0x13: {  	[smem:$0x3FAB] =	sst s0;
	s0 =	simm.s32 @!p1 $0x0  }
0x14: {  	s2 =	sld [smem:$0x3F8F];
	s0 =	simm.s32 @p1 $0x1  }
0x15: {  	[smem:$0x3FAC] =	sst s0;
	s0 =	simm.s32 @!p2 $0x0  }
0x16: {  	s3 =	sld [smem:$0x3FDB];
	s0 =	simm.s32 @p2 $0x1  }
0x17: {  	s4 =	simm.s32 $0x1BF5;
	[smem:$0x3FAE] =	sst s0  }
0x18: {  	s0 =	sld [smem:$0x3F91];
	_ =	swait.ge [sflag:s4], $0x0  }
0x19: {  	s7 =	sld [smem:$0x3F92]  }
0x1a: {  	s8 =	sadd.s32 $0xFFFFE003, lr  }
0x1b: {  	s9 =	sadd.s32 $0xFFFFFEF7, lr;
	s5 =	simm.s32 $0xFFFFFFFF;
	p2 =	slt.u32 s8, $0xFFFFF086  }
0x1c: {  	p1 =	slt.u32 s9, $0xF7A;
	s5 =	simm.s32 @!p2 $0x0  }
0x1d: {  	s5 =	simm.s32 @p1 $0x1;
	p0 =	seq.s32 s7, s2  }
0x1e: {  	s7 =	smul.u32 @!p0 $0xF7A, s2;
	p2 =	seq.s32 @!p0 s5, $0x0  }
0x1f: {  	s9 =	smul.u32 $0xF7A, s1;
	s8 =	simm.s32 @!p0 $0x1BF5;
	p2 =	por !p2, p0  }
0x20: {  	[sflag:s8] =	ssyncset.s32 @!p0 $0xFFFFF086;
	s6 =	sadd.s32 @!p0 s3, s7;
	s7 =	simm.s32 @!p0 $0x108  }
0x21: {  	s3 =	sadd.s32 s3, s9;
	s6 =	sadd.s32 @!p0 $0x88, s6;
	s7 =	simm.s32 @p2 $0x1082  }
0x22: {  	[simem:s7], [sflag:s8] =	dma.local @!p0 [hbm:s6], $0xF7A  }
0x23: {  	s9 =	sor.u32 $0xD0000000, s2;
	s6 =	simm.s32 $0x108;
	_ =	swait.ge @!p0 [sflag:s8], $0x0  }
0x24: {  	s3 =	sadd.s32 $0x88, s3;
	s6 =	simm.s32 @!p1 $0x1082;
	[sflag:s4] =	ssyncset.s32 $0xFFFFF086  }
0x25: {  	[simem:s6], [sflag:s4] =	dma.local [hbm:s3], $0xF7A  }
0x26: {  	[smem:$0x3F92] =	sst s1;
	(tag) =	ssettag s2;
	_ =	strace s9  }
0x27: {  	s1 =	sld [smem:$0x3FA2]  }
0x28: {  	s2 =	sld [smem:$0x3FA3]  }
0x29: {  	s4 =	sld [smem:$0x3FA5]  }
0x2a: {  	p0 =	seq.s32 s5, $0x0;
	s5 =	sld [smem:$0x3FA6]  }
0x2b: {  	s6 =	sld [smem:$0x3FA7]  }
0x2c: {  	s7 =	sld [smem:$0x3FA8]  }
0x2d: {  	s3 =	simm.s32 $0x108;
	s8 =	sld [smem:$0x3FA9]  }
0x2e: {  	s3 =	simm.s32 @!p0 $0x1082;
	s9 =	sld [smem:$0x3FAA]  }
0x2f: {  	lr =	sadd.s32 s0, s3;
	s0 =	sld [smem:$0x3FA1]  }
0x30: {  	s3 =	sld [smem:$0x3FA4]  }
0x31: {  	[smem:$0x3FAD] =	sst s10  }
0x32: {  	s10 =	sld [smem:$0x3FAB];
	_ =	sdelay $0x3  }
0x33: {  	p0 =	seq.s32 s10, $0x1;
	s10 =	sld [smem:$0x3FAD];
	_ =	sdelay $0x3  }
0x34: {  	[smem:$0x3FAD] =	sst s10  }
0x35: {  	s10 =	sld [smem:$0x3FAC];
	_ =	sdelay $0x3  }
0x36: {  	p1 =	seq.s32 s10, $0x1;
	s10 =	sld [smem:$0x3FAD];
	_ =	sdelay $0x3  }
0x37: {  	[smem:$0x3FAD] =	sst s10  }
0x38: {  	s10 =	sld [smem:$0x3FAE]  }
0x39: {  	_ = 	snop;
	(pc) =	sbr.ind lr, $3  }
0x3a: {  	_ = 	snop  }
0x3b: {  	_ = 	snop  }
0x3c: {  	p2 =	seq.s32 s10, $0x1;
	s10 =	sld [smem:$0x3FAD]  }
0x3d: {  	_ =	shalt  }
0x3e: {  	_ =	shalt  }
0x3f: {  	_ =	shalt  }
0x40: {  	_ =	shalt  }
0x41: {  	_ =	shalt  }
0x42: {  	_ =	shalt  }
0x43: {  	_ =	shalt  }
0x44: {  	_ =	shalt  }
0x45: {  	_ =	shalt  }
0x46: {  	_ =	shalt  }
0x47: {  	_ =	shalt  }
0x48: {  	_ =	shalt  }
0x49: {  	_ =	shalt  }
0x4a: {  	_ =	shalt  }
0x4b: {  	_ =	shalt  }
0x4c: {  	_ =	shalt  }
0x4d: {  	_ =	shalt  }
0x4e: {  	_ =	shalt  }
0x4f: {  	_ =	shalt  }
0x50: {  	_ =	shalt  }
0x51: {  	_ =	shalt  }
0x52: {  	_ =	shalt  }
0x53: {  	_ =	shalt  }
0x54: {  	_ =	shalt  }
0x55: {  	_ =	shalt  }
0x56: {  	_ =	shalt  }
0x57: {  	_ =	shalt  }
0x58: {  	_ =	shalt  }
0x59: {  	_ =	shalt  }
0x5a: {  	_ =	shalt  }
0x5b: {  	_ =	shalt  }
0x5c: {  	_ =	shalt  }
0x5d: {  	_ =	shalt  }
0x5e: {  	_ =	shalt  }
0x5f: {  	_ =	shalt  }
0x60: {  	_ =	shalt  }
0x61: {  	_ =	shalt  }
0x62: {  	_ =	shalt  }
0x63: {  	_ =	shalt  }
0x64: {  	_ =	shalt  }
0x65: {  	_ =	shalt  }
0x66: {  	_ =	shalt  }
0x67: {  	_ =	shalt  }
0x68: {  	_ =	shalt  }
0x69: {  	_ =	shalt  }
0x6a: {  	_ =	shalt  }
0x6b: {  	_ =	shalt  }
0x6c: {  	_ =	shalt  }
0x6d: {  	_ =	shalt  }
0x6e: {  	_ =	shalt  }
0x6f: {  	_ =	shalt  }
0x70: {  	_ =	shalt  }
0x71: {  	_ =	shalt  }
0x72: {  	_ =	shalt  }
0x73: {  	_ =	shalt  }
0x74: {  	_ =	shalt  }
0x75: {  	_ =	shalt  }
0x76: {  	_ =	shalt  }
0x77: {  	_ =	shalt  }
0x78: {  	_ =	shalt  }
0x79: {  	_ =	shalt  }
0x7a: {  	_ =	shalt  }
0x7b: {  	_ =	shalt  }
0x7c: {  	_ =	shalt  }
0x7d: {  	_ =	shalt  }
0x7e: {  	_ =	shalt  }
0x7f: {  	_ =	shalt  }
0x80: {  	_ =	shalt  }
0x81: {  	_ =	shalt  }
0x82: {  	_ =	shalt  }
0x83: {  	_ =	shalt  }
0x84: {  	_ =	shalt  }
0x85: {  	_ =	shalt  }
0x86: {  	_ =	shalt  }
0x87: {  	_ =	shalt  }
.Lfunc_end0:
.L_simem_size_0:
called_computation_lowered:
.L_overlay_start_0:
0x88: {  	s2 =	sld [smem:$0x3FD9]  }
0x89: {  	s3 =	sld [smem:$0x3FFE];
	_ =	sdelay $0x1  }
0x8a: {  	s1 =	srdreg.scid  }
0x8b: {  	s0 =	sand.u32 $0x1, s1  }
0x8c: {  	s14 =	sshll.u32 s0, $0xA;
	s2 =	sadd.s32 s3, s2  }
0x8d: {  	s2 =	sadd.s32 s2, s14  }
0x8e: {  	[smem:$0x3FB9] =	sst s2  }
0x8f: {  	_ = 	snop  }
0x90: {  	s2 =	sld [smem:$0x3FD0];
	_ =	sdelay $0x2  }
0x91: {  	s15 =	simm.s32 $0xA;
	s4 =	simm.s32 $0x10  }
0x92: {  	[smem:s4], [sflag:s15] =	dma.local [hbm:s2], $0x1  }
0x93: {  	_ =	swait.eq [sflag:s15], $0x1  }
0x94: {  	[sflag:s15] =	ssyncset.done $0x0  }
0x95: {  	[sflag:s15] =	ssyncadd.s32 $0xFFFFFFFF  }
0x96: {  	s16 =	sld [smem:$0x10];
	(tm) =	ssettm $0x1  }
0x97: {  	s17 =	sld [smem:$0x3FFB];
	_ =	sdelay $0x3  }
0x98: {  	_ =	strace s17  }
0x99: {  	s3 =	sld [smem:$0x3FFC];
	_ =	sdelay $0x3  }
0x9a: {  	_ =	strace s3  }
0x9b: {  	s3 =	sld [smem:$0x3FFD];
	_ =	sdelay $0x3  }
0x9c: {  	_ =	strace s3  }
0x9d: {  	_ =	strace $0x8FFFFFFF  }
0x9e: {  	s18 =	sld [smem:$0x3FDB];
	_ =	sdelay $0x1  }
0x9f: {  	s19 =	simm.s32 $_scs_section_size  }
0xa0: {  	s5 =	simm.s32 $_size__tile_overlayer_lowered;
	s6 =	simm.s32 $_tile_overlayer_lowered  }
0xa1: {  	s22 =	simm.s32 $0x1BFF;
	s21 =	sshll.u32 s6, $0x1;
	s3 =	sadd.s32 s19, s18  }
0xa2: {  	s7 =	simm.s32 $0x0;
	s20 =	sshll.u32 s5, $0x1;
	s5 =	sadd.s32 s21, s3  }
0xa3: {  	[timem:s7], [sflag:s22] =	dma.local [hbm:s5], s20  }
0xa4: {  	_ =	swait.ge [sflag:s22], s20  }
0xa5: {  	s4 =	ssub.s32 $0x0, s20;
	[sflag:s22] =	ssyncset.done $0x0  }
0xa6: {  	[sflag:s22] =	ssyncadd.s32 s4;
	_ =	sdelay $0x1  }
0xa7: {  	s23 =	simm.s32 $0x1B8B  }
0xa8: {  	_ =	swait.ge [sflag:s23], $0x1  }
0xa9: {  	[sflag:s23] =	ssyncset.done $0x0  }
0xaa: {  	s25 =	simm.s32 $0x1B8E;
	s24 =	sld [smem:$0x3FFE];
	[sflag:s23] =	ssyncadd.s32 $0xFFFFFFFF  }
0xab: {  	s26 =	simm.s32 $execute0_lowered;
	[smem:$0x3FD2] =	sst s25  }
0xac: {  	s5 =	sshll.u32 s26, $0x1;
	_ =	strace $0x80000046;
	[dreg:$0x1] =	wrdreg $0xFFFFFFFF  }
0xad: {  	s28 =	simm.s32 $_size_execute0_lowered;
	s3 =	sadd.s32 s3, s5;
	[dreg:$0x0] =	wrdreg $0x0  }
0xae: {  	s5 =	sshll.u32 s28, $0x1;
	[dreg:$0x2] =	wrdreg s3  }
0xaf: {  	[dreg:$0x3] =	wrdreg s5  }
0xb0: {  	[dreg:$0x4] =	wrdreg $0xC0  }
0xb1: {  	_ =	task [dreg:s7], $0x5FFFF  }
0xb2: {  	[dreg:$0x1] =	wrdreg $0xFFFFFFFF  }
0xb3: {  	[dreg:$0x0] =	wrdreg $0x60  }
0xb4: {  	[dreg:$0x2] =	wrdreg s24  }
0xb5: {  	[dreg:$0x3] =	wrdreg s16  }
0xb6: {  	[dreg:$0x4] =	wrdreg $0x9  }
0xb7: {  	_ =	task.clear_ibuf [dreg:s7], $0x5FFFF;
	_ =	strace $0x90000046  }
0xb8: {  	s29 =	simm.s32 $0x9;
	_ =	strace $0x80000048  }
0xb9: {  	_ =	swait.ge [sflag:s29], $0x1  }
0xba: {  	[sflag:s29] =	ssyncadd.s32 $0xFFFFFFFF  }
0xbb: {  	_ =	strace $0x90000048  }
0xbc: {  	_ =	sfence  }
0xbd: {  	s30 =	sld [smem:$0x0];
	_ =	sdelay $0x2  }
0xbe: {  	s31 =	sshll.u32 s1, $0xD;
	s1 =	sshrl.u32 s1, $0x2  }
0xbf: {  	s3 =	sand.u32 $0x4000, s31;
	s1 =	sadd.s32 s1, s30  }
0xc0: {  	s0 =	sor.u32 s3, s0;
	s1 =	sshll.u32 s1, $0x11  }
0xc1: {  	s0 =	sor.u32 s1, s0  }
0xc2: {  	s0 =	sadd.s32 $0x8F2B, s0  }
0xc3: {  	[sflag:s0] =	ssyncadd.remote.s32 $0x1  }
0xc4: {  	_ =	sfence.sel $0xFFFF  }
0xc5: {  	[dreg:$0x0] =	wrdreg $0xFFFFFFFF;
	(pc) =	sbr.abs _section_cstart, $3  }
0xc6: {  	[dreg:$0x1] =	wrdreg $0xFFFFFFFF  }
0xc7: {  	_ =	task.clear_ibuf [dreg:s7], $0x2FFFF;
	_ =	strace $0x9FFFFFFF  }
0xc8: {  	(tm) =	ssettm $0x7FFFFFFF  }
0xc9: {  	_ =	shalt  }
tec
execute0_lowered:
.L_overlay_start_1:
0x0: {  	(tag) =	ssettag $0x1  }
0x1: {  	s7 =	rddreg [dreg:$0x0]  }
0x2: {  	s2 =	rddreg [dreg:$0x1]  }
0x3: {  	s0 =	rddreg [dreg:$0x2]  }
0x4: {  	s1 =	srdreg.scid;
	_ =	strace $0x80000047;
	s4 =	simm.s32 $0x1  }
0x5: {  	s9 =	simm.s32 $0x3;
	s12 =	simm.s32 $0x0;
	s5 =	sshll.u32 s1, $0x4  }
.Ltmp0:
0x6: {  	s1 =	stileid.u32;
	s5 =	sand.u32 $0x10, s5;
	(pc) =	sbr.rel .LBB2_1-.Ltmp0, $4  }
0x7: {  	s10 =	simm.s32 $0x0;
	s3 =	sadd.s32 $0x1C00, s7;
	s6 =	sor.u32 s1, s5  }
0x8: {  	[sflag:s4] =	ssyncpa.u1 $0x0;
	s5 =	simm.s32 $0x2;
	s6 =	sshll.u32 s6, $0x7  }
0x9: {  	s7 =	sadd.s32 $0x641C00, s7;
	[sflag:s5] =	ssyncpa.u1 $0x0;
	s8 =	sadd.s32 $0x80, s6  }
0xa: {  	vm0 =	vmmov $0xff;
	vm1 =	vcmask $0x3F20;
	[sflag:s9] =	ssyncpa.u1 $0x0;
	s9 =	simm.s32 $0x80;
	s11 =	smov.u32 s6  }
.LBB2_9:
0xb: {  	p0 =	seq.s32 s10, $0x2  }
.Ltmp1:
0xc: {  	_ = 	snop;
	(pc) =	sbr.rel @p0 .LBB2_11-.Ltmp1, $1  }
0xd: {  	_ =	sdelay $0x3  }
.LBB2_10:
0xe: {  	s12 =	sadd.s32 $0x80, s11  }
0xf: {  	s13 =	smov.u32 s6;
	p0 =	slt.s32 s12, s8  }
0x10: {  	s13 =	smov.u32 @p0 s12  }
0x11: {  	s10 =	sadd.s32 $0x1, s10;
	s12 =	smov.u32 s11;
	s11 =	smov.u32 s13  }
.LBB2_1:
0x12: {  	p0 =	sne.s32 s10, $0x0  }
.Ltmp2:
0x13: {  	_ = 	snop;
	(pc) =	sbr.rel @!p0 .LBB2_2-.Ltmp2, $1  }
0x14: {  	_ =	sdelay $0x3  }
0x15: {  	s13 =	sand.u32 $0x1, s10  }
0x16: {  	p0 =	seq.s32 s13, $0x0  }
.Ltmp3:
0x17: {  	_ = 	snop;
	(pc) =	sbr.rel @p0 .LBB2_9-.Ltmp3, $1  }
0x18: {  	_ =	sdelay $0x3  }
0x19: {  	_ =	swait.ge [sflag:s5], $0x80  }
0x1a: {  	[sflag:s5] =	ssyncset.done $0x0  }
0x1b: {  	s13 =	simm.s32 $0x0;
	[sflag:s5] =	ssyncadd.s32 $0xFFFFFF80  }
0x1c: {  	v0 =	vld.msk [tilespmem:s13+$0x80 ss:$0x1], $0xffff;
	_ =	sdelay $0x4  }
0x1d: {  	v1 =	vshll.u32 v0, $0x7  }
0x1e: {  	vm2 =	veq.s32 v0, $0x80000000;
	v0 =	vand.u32 $0x7FF80, v1  }
0x1f: {  	v1 =	vand.u32 $0x3F80000, v1;
	v0 =	vsel vm2, $0xFFFFFF80, v0  }
0x20: {  	v1 =	vsel vm2, $0xFFF80000, v1;
	v2 =	vand.u32 $0xFFFFFC00, v0  }
0x21: {  	v0 =	vand.u32 $0x380, v0;
	v1 =	vadd.s32 v1, v2  }
0x22: {  	v0 =	vor.u32 v0, v1  }
0x23: {  	v0 =	vshrl.u32 v0, $0x3;
	_ =	sdelay $0x3  }
0x24: {  	s13 =	simm.s32 $0x4100  }
0x25: {  	[tilespmem:s13], [sflag:$0x1] =	stream.indirect_vreg.gather [hbm:s3], $0x80, v0, vm0, $0x38;
	[tilespmem:$0x8100] =	vst v63  }
0x26: {  	s14 =	simm.s32 $0x4500;
	s31 =	simm.s32 $0x10  }
0x27: {  	[tilespmem:s14], [sflag:$0x1] =	stream.indirect_vreg.gather [hbm:s3], $0x80, v0, vm1, $0x38;
	[tilespmem:$0x8100] =	vst v63  }
0x28: {  	s14 =	simm.s32 $0x80;
	v0 =	vld.msk [tilespmem:s31+$0x80 ss:$0x1], $0xffff  }
.LBB2_5:
0x29: {  	p0 =	sne.s32 s14, $0x1C0;
	_ =	sdelay $0x4  }
0x2a: {  	v1 =	vshll.u32 v0, $0x7  }
0x2b: {  	vm2 =	veq.s32 v0, $0x80000000;
	v0 =	vand.u32 $0x7FF80, v1  }
0x2c: {  	v1 =	vand.u32 $0x3F80000, v1;
	v0 =	vsel vm2, $0xFFFFFF80, v0  }
0x2d: {  	v1 =	vsel vm2, $0xFFF80000, v1;
	v2 =	vand.u32 $0xFFFFFC00, v0  }
0x2e: {  	v0 =	vand.u32 $0x380, v0;
	v1 =	vadd.s32 v1, v2  }
0x2f: {  	v0 =	vor.u32 v0, v1  }
0x30: {  	v0 =	vshrl.u32 v0, $0x3;
	_ =	sdelay $0x3  }
.Ltmp4:
0x31: {  	s13 =	sadd.s32 $0x800, s13;
	(pc) =	sbr.rel @p0 .LBB2_5-.Ltmp4, $4  }
0x32: {  	[tilespmem:s13], [sflag:$0x1] =	stream.indirect_vreg.gather [hbm:s3], $0x80, v0, vm0, $0x38;
	[tilespmem:$0x8100] =	vst v63  }
0x33: {  	s15 =	sshra.s32 s14, $0x2;
	s16 =	sadd.s32 $0x400, s13  }
0x34: {  	[tilespmem:s16], [sflag:$0x1] =	stream.indirect_vreg.gather [hbm:s3], $0x80, v0, vm1, $0x38;
	[tilespmem:$0x8100] =	vst v63  }
0x35: {  	s14 =	sadd.s32 $0x40, s14;
	v0 =	vld.msk [tilespmem:s15+$0x80 ss:$0x1], $0xffff  }
0x36: {  	_ =	sdelay $0x3  }
0x37: {  	v1 =	vshll.u32 v0, $0x7  }
0x38: {  	vm2 =	veq.s32 v0, $0x80000000;
	v63 =	vand.u32 $0x7FF80, v1  }
0x39: {  	v1 =	vand.u32 $0x3F80000, v1;
	v0 =	vsel vm2, $0xFFFFFF80, v63  }
0x3a: {  	v1 =	vsel vm2, $0xFFF80000, v1;
	v2 =	vand.u32 $0xFFFFFC00, v0  }
0x3b: {  	v0 =	vand.u32 $0x380, v0;
	v1 =	vadd.s32 v1, v2  }
0x3c: {  	v0 =	vor.u32 v0, v1  }
0x3d: {  	v0 =	vshrl.u32 v0, $0x3;
	_ =	sdelay $0x3  }
0x3e: {  	s13 =	sadd.s32 $0x800, s13  }
0x3f: {  	[tilespmem:s13], [sflag:$0x1] =	stream.indirect_vreg.gather [hbm:s3], $0x80, v0, vm0, $0x38;
	[tilespmem:$0x8100] =	vst v63  }
0x40: {  	s13 =	sadd.s32 $0x400, s13  }
0x41: {  	[tilespmem:s13], [sflag:$0x1] =	stream.indirect_vreg.gather [hbm:s3], $0x80, v0, vm1, $0x38;
	[tilespmem:$0x8100] =	vst v63  }
0x42: {  	s12 =	sshll.u32 s12, $0x4;
	s14 =	simm.s32 $0x80;
	_ =	swait.ge [sflag:s4], $0x4000  }
0x43: {  	s15 =	simm.s32 $0x4500;
	s12 =	sadd.s32 s12, s7;
	[sflag:s4] =	ssyncset.done $0x0  }
0x44: {  	s16 =	sadd.s32 $0x0, s12;
	s13 =	simm.s32 $0x4100;
	[sflag:s4] =	ssyncadd.s32 $0xFFFFC000  }
.LBB2_7:
0x45: {  	[hbm:s16] =	stream.linear.scatter [tilespmem:s13], [sflag:$0x3], $0x400, $0x38;
	[tilespmem:$0x8100] =	vst v63  }
0x46: {  	s16 =	smov.u32 s14;
	s13 =	smov.u32 s15;
	p0 =	sne.s32 s14, $0x780  }
.Ltmp5:
0x47: {  	s14 =	sadd.s32 $0x80, s14;
	(pc) =	sbr.rel @p0 .LBB2_7-.Ltmp5, $2  }
0x48: {  	_ =	sdelay $0x2  }
0x49: {  	s15 =	sadd.s32 $0x400, s15;
	s16 =	sadd.s32 s16, s12  }
.Ltmp6:
0x4a: {  	(pc) =	sbr.rel .LBB2_9-.Ltmp6, $2  }
0x4b: {  	_ =	sdelay $0x2  }
0x4c: {  	[hbm:s16] =	stream.linear.scatter [tilespmem:s13], [sflag:$0x3], $0x400, $0x38;
	[tilespmem:$0x8100] =	vst v63  }
.LBB2_2:
.Ltmp7:
0x4d: {  	(pc) =	sbr.rel .LBB2_10-.Ltmp7, $4  }
0x4e: {  	_ = 	snop  }
0x4f: {  	s12 =	sshrl.u32 s11, $0x3  }
0x50: {  	s13 =	sand.u32 $0x7, s11;
	s12 =	sadd.s32 s2, s12  }
0x51: {  	[tilespmem:s9], [sflag:$0x2] =	stream.linear.gather [hbm4b:s12+s13], $0x80, $0x38;
	[tilespmem:$0x8100] =	vst v63  }
.LBB2_11:
0x52: {  	s2 =	simm.s32 $0x3  }
0x53: {  	_ =	swait.ge [sflag:s2], $0x4000  }
0x54: {  	[sflag:s2] =	ssyncset.done $0x0  }
0x55: {  	[sflag:s2] =	ssyncadd.s32 $0xFFFFC000  }
0x56: {  	_ =	sfence.sel $0x180000  }
0x57: {  	s3 =	simm.s32 $0x2;
	[bflag:$0x0] =	sbarrier.arrive $0xFFFF  }
0x58: {  	[sflag:s3] =	ssyncpa.u1 $0x1  }
0x59: {  	s31 =	simm.s32 $0x1;
	[sflag:s2] =	ssyncpa.u1 $0x1  }
0x5a: {  	[sflag:s31] =	ssyncpa.u1 $0x1  }
0x5b: {  	p0 =	sne.s32 s1, $0x0;
	_ =	strace $0x90000047  }
0x5c: {  	s0 =	sadd.s32 @!p0 $0x100000, s0;
	[bflag:$0x2] =	sbarrier.arrive $0xFFFF  }
0x5d: {  	[sflag:s0] =	ssyncadd.tile.s32 @!p0 $0x1;
	_ =	shalt  }
.Lfunc_end2:
_tile_overlayer_lowered:
.L_overlay_start_2:
0x5e: {  	(tag) =	ssettag $0x2  }
0x5f: {  	s0 =	rddreg [dreg:$0x0];
	s2 =	stileid.u32  }
0x60: {  	s1 =	rddreg [dreg:$0x1];
	p0 =	sne.s32 s2, $0x0  }
0x61: {  	s3 =	rddreg [dreg:$0x2];
	[bflag:$0x3] =	sbarrier.arrive $0xFFFF;
	s2 =	simm.s32 @!p0 $0x1C01  }
0x62: {  	[timem:s3], [sflag:s2] =	dma.local @!p0 [hbm:s0], s1  }
0x63: {  	s0 =	simm.s32 @!p0 $0x1  }
0x64: {  	_ =	swait.ge @!p0 [sflag:s0], s1  }
0x65: {  	s1 =	ssub.s32 @!p0 $0x0, s1;
	[sflag:s0] =	ssyncset.done @!p0 $0x0  }
0x66: {  	[sflag:s0] =	ssyncadd.s32 @!p0 s1  }
0x67: {  	[bflag:$0x3] =	sbarrier.arrive $0xFFFF  }
0x68: {  	_ =	shalt  }

</sc_bundles>
